<compile_context>
chip_gen: v7x
topology: tpu7x:2x2x1
jax: 0.10.2.dev20260603
libtpu: 0.0.44.dev20260713+nightly
codegen_flags: <defaults>
</compile_context>

<pallas_src>
import functools

import jax
import jax.numpy as jnp
from jax import lax
from jax.experimental import pallas as pl
from jax.experimental.pallas import tpu as pltpu
from jax.experimental.pallas import tpu_sc as plsc

D_MODEL = 128
SEQ = 50
BATCH = 4096
B_TOTAL = BATCH * SEQ
NUM_CORES = 2
NUM_SUBCORES = 16
NW = NUM_CORES * NUM_SUBCORES
BPW = B_TOTAL // NW
CHUNK = 128
NCHUNK = BPW // CHUNK
NB = 5

_mesh = plsc.VectorSubcoreMesh(core_axis_name="c", subcore_axis_name="s")


@functools.partial(
    pl.kernel,
    mesh=_mesh,
    out_type=jax.ShapeDtypeStruct((B_TOTAL, D_MODEL), jnp.float32),
    scratch_types=[
        pltpu.VMEM((BPW,), jnp.int32),
        pltpu.VMEM((NB, CHUNK, D_MODEL), jnp.float32),
        pltpu.SemaphoreType.DMA((NB,)),
    ],
    compiler_params=pltpu.CompilerParams(use_tc_tiling_on_sc=True),
)
def _embed_sc(x_hbm, w_hbm, out_hbm, idx_v, rows_v, sems):
    wid = lax.axis_index("s") * NUM_CORES + lax.axis_index("c")
    base = wid * BPW
    pltpu.sync_copy(x_hbm.at[pl.ds(base, BPW)], idx_v)

    def gather(c, b):
        return pltpu.make_async_copy(
            w_hbm.at[idx_v.at[pl.ds(c * CHUNK, CHUNK)]],
            rows_v.at[b], sems.at[b])

    for b in range(NB):
        gather(b, b).start()

    def body(t, carry):
        c0 = t * NB
        for b in range(NB):
            c = c0 + b
            gather(c, b).wait()
            pltpu.sync_copy(rows_v.at[b],
                            out_hbm.at[pl.ds(base + c * CHUNK, CHUNK)])

            @pl.when(c + NB < NCHUNK)
            def _():
                gather(c + NB, b).start()

        return carry

    lax.fori_loop(0, NCHUNK // NB, body, 0)


def kernel(x, W):
    idx_flat = x.T.reshape(B_TOTAL).astype(jnp.int32)
    out = _embed_sc(idx_flat, W)
    return out.reshape(SEQ, BATCH, D_MODEL).transpose(1, 0, 2)

# --- scband reference (transcript-rebuilt; emitter-appended) ---
"""Pipeline reference for scband-embedder-29841432773473 (READ-ONLY COPY).

The authoritative reference and input builder live on the scoring server;
editing this copy changes nothing except your own understanding.
"""

import jax, jax.numpy as jnp
import numpy as np

VOCAB = 100000
D_MODEL = 128

def setup_inputs(seed: int = 0) -> dict:
    key = jax.random.key(seed)
    k_x, k_w = jax.random.split(key)
    x = jax.random.randint(k_x, (4096, 50), 0, VOCAB, dtype=jnp.int64 if jax.config.jax_enable_x64 else jnp.int32)
    W = jax.random.normal(k_w, (VOCAB, D_MODEL), dtype=jnp.float32)
    return {"x": x, "W": W}

def reference(x, W):
    # nn.Embedding forward: row-gather from the embedding table
    return jnp.take(W, x, axis=0)

if __name__ == "__main__":
    import jax
    _d = setup_inputs()
    print(jax.jit(kernel)(*tuple(_d.values())))

</pallas_src>

<mosaic_0001>
#map = affine_map<(d0, d1) -> (0)>
#map1 = affine_map<(d0, d1) -> (0, 0)>
module attributes {stable_mosaic.version = 14 : i64} {
  func.func @_embed_sc(%arg0: i32, %arg1: i32, %arg2: memref<204800xi32, #tpu.memory_space<hbm>>, %arg3: memref<100000x128xf32, #tpu.memory_space<hbm>>, %arg4: memref<204800x128xf32, #tpu.memory_space<hbm>>, %arg5: memref<6400xi32, #tpu.memory_space<vmem>>, %arg6: memref<5x128x128xf32, #tpu.memory_space<vmem>>, %arg7: memref<5x!tpu.dma_semaphore, #tpu.memory_space<semaphore_mem>>) attributes {dimension_semantics = [#tpu.dimension_semantics<core_parallel>, #tpu.dimension_semantics<subcore_parallel>], iteration_bounds = array<i64: 2, 16>, scalar_prefetch = 0 : i64, scratch_operands = 3 : i64, tpu.core_type = #tpu.core_type<sc_vector_subcore>, window_params = [{transform_indices = #map}, {transform_indices = #map1}, {transform_indices = #map1}]} {
    %mul3A = arith.constant 2 : i32
    %mul3A_0 = arith.muli %arg1, %mul3A : i32
    %add3A = arith.addi %mul3A_0, %arg0 : i32
    %mul3A_1 = arith.constant 6400 : i32
    %mul3A_2 = arith.muli %add3A, %mul3A_1 : i32
    "tpu.region"() ({
      %run_scoped3A = tpu.sem_alloc : memref<!tpu.dma_semaphore, #tpu.memory_space<semaphore_mem>>
      %dma_start3A_72 = tpu.memref_slice %arg2[%mul3A_2] : memref<204800xi32, #tpu.memory_space<hbm>> -> memref<6400xi32, #tpu.memory_space<hbm>>
      %dma_start3A_73 = tpu.memref_slice %arg2[%mul3A_2] : memref<204800xi32, #tpu.memory_space<hbm>> -> memref<6400xi32, #tpu.memory_space<hbm>>
      tpu.enqueue_dma source(%dma_start3A_73 : memref<6400xi32, #tpu.memory_space<hbm>>) target(%arg5 : memref<6400xi32, #tpu.memory_space<vmem>>) target_semaphore(%run_scoped3A : memref<!tpu.dma_semaphore, #tpu.memory_space<semaphore_mem>>)
      %dma_wait3A = tpu.memref_slice %arg2[%mul3A_2] : memref<204800xi32, #tpu.memory_space<hbm>> -> memref<6400xi32, #tpu.memory_space<hbm>>
      %dma_wait3A_74 = tpu.memref_slice %arg2[%mul3A_2] : memref<204800xi32, #tpu.memory_space<hbm>> -> memref<6400xi32, #tpu.memory_space<hbm>>
      tpu.wait_dma2 semaphore(%run_scoped3A : memref<!tpu.dma_semaphore, #tpu.memory_space<semaphore_mem>>) src(%dma_wait3A_74 : memref<6400xi32, #tpu.memory_space<hbm>>) dst(%arg5 : memref<6400xi32, #tpu.memory_space<vmem>>)
      tpu.yield
    }) : () -> ()
    %dma_start3A = arith.constant 0 : i32
    %dma_start3A_3 = arith.constant 0 : i32
    %dma_start3A_4 = arith.constant 0 : i32
    %dma_start3A_5 = arith.constant 0 : i32
    %dma_start3A_6 = tpu.memref_slice %arg6[%dma_start3A, %dma_start3A_4, %dma_start3A_5] : memref<5x128x128xf32, #tpu.memory_space<vmem>> -> memref<1x128x128xf32, #tpu.memory_space<vmem>>
    %dma_start3A_7 = tpu.memref_squeeze %dma_start3A_6 : memref<1x128x128xf32, #tpu.memory_space<vmem>> -> memref<128x128xf32, #tpu.memory_space<vmem>>
    %dma_start3A_8 = arith.constant 0 : i32
    %dma_start3A_9 = tpu.memref_slice %arg5[%dma_start3A_8] : memref<6400xi32, #tpu.memory_space<vmem>> -> memref<128xi32, #tpu.memory_space<vmem>>
    %dma_start3A_10 = arith.constant 0 : i32
    %dma_start3A_11 = arith.constant 0 : i32
    %dma_start3A_12 = tpu.memref_slice %arg3[%dma_start3A_10, %dma_start3A_11] : memref<100000x128xf32, #tpu.memory_space<hbm>> -> memref<100000x128xf32, #tpu.memory_space<hbm>>
    %dma_start3A_13 = tpu.memref_slice %arg7[%dma_start3A_3] : memref<5x!tpu.dma_semaphore, #tpu.memory_space<semaphore_mem>> -> memref<1x!tpu.dma_semaphore, #tpu.memory_space<semaphore_mem>>
    %dma_start3A_14 = tpu.memref_squeeze %dma_start3A_13 : memref<1x!tpu.dma_semaphore, #tpu.memory_space<semaphore_mem>> -> memref<!tpu.dma_semaphore, #tpu.memory_space<semaphore_mem>>
    tpu.enqueue_indirect_dma source(%dma_start3A_12 : memref<100000x128xf32, #tpu.memory_space<hbm>>) target(%dma_start3A_7 : memref<128x128xf32, #tpu.memory_space<vmem>>) offsets(%dma_start3A_9 : memref<128xi32, #tpu.memory_space<vmem>>) semaphore(%dma_start3A_14 : memref<!tpu.dma_semaphore, #tpu.memory_space<semaphore_mem>>)
    %dma_start3A_15 = arith.constant 1 : i32
    %dma_start3A_16 = arith.constant 1 : i32
    %dma_start3A_17 = arith.constant 0 : i32
    %dma_start3A_18 = arith.constant 0 : i32
    %dma_start3A_19 = tpu.memref_slice %arg6[%dma_start3A_15, %dma_start3A_17, %dma_start3A_18] : memref<5x128x128xf32, #tpu.memory_space<vmem>> -> memref<1x128x128xf32, #tpu.memory_space<vmem>>
    %dma_start3A_20 = tpu.memref_squeeze %dma_start3A_19 : memref<1x128x128xf32, #tpu.memory_space<vmem>> -> memref<128x128xf32, #tpu.memory_space<vmem>>
    %dma_start3A_21 = arith.constant 128 : i32
    %dma_start3A_22 = tpu.memref_slice %arg5[%dma_start3A_21] : memref<6400xi32, #tpu.memory_space<vmem>> -> memref<128xi32, #tpu.memory_space<vmem>>
    %dma_start3A_23 = arith.constant 0 : i32
    %dma_start3A_24 = arith.constant 0 : i32
    %dma_start3A_25 = tpu.memref_slice %arg3[%dma_start3A_23, %dma_start3A_24] : memref<100000x128xf32, #tpu.memory_space<hbm>> -> memref<100000x128xf32, #tpu.memory_space<hbm>>
    %dma_start3A_26 = tpu.memref_slice %arg7[%dma_start3A_16] : memref<5x!tpu.dma_semaphore, #tpu.memory_space<semaphore_mem>> -> memref<1x!tpu.dma_semaphore, #tpu.memory_space<semaphore_mem>>
    %dma_start3A_27 = tpu.memref_squeeze %dma_start3A_26 : memref<1x!tpu.dma_semaphore, #tpu.memory_space<semaphore_mem>> -> memref<!tpu.dma_semaphore, #tpu.memory_space<semaphore_mem>>
    tpu.enqueue_indirect_dma source(%dma_start3A_25 : memref<100000x128xf32, #tpu.memory_space<hbm>>) target(%dma_start3A_20 : memref<128x128xf32, #tpu.memory_space<vmem>>) offsets(%dma_start3A_22 : memref<128xi32, #tpu.memory_space<vmem>>) semaphore(%dma_start3A_27 : memref<!tpu.dma_semaphore, #tpu.memory_space<semaphore_mem>>)
    %dma_start3A_28 = arith.constant 2 : i32
    %dma_start3A_29 = arith.constant 2 : i32
    %dma_start3A_30 = arith.constant 0 : i32
    %dma_start3A_31 = arith.constant 0 : i32
    %dma_start3A_32 = tpu.memref_slice %arg6[%dma_start3A_28, %dma_start3A_30, %dma_start3A_31] : memref<5x128x128xf32, #tpu.memory_space<vmem>> -> memref<1x128x128xf32, #tpu.memory_space<vmem>>
    %dma_start3A_33 = tpu.memref_squeeze %dma_start3A_32 : memref<1x128x128xf32, #tpu.memory_space<vmem>> -> memref<128x128xf32, #tpu.memory_space<vmem>>
    %dma_start3A_34 = arith.constant 256 : i32
    %dma_start3A_35 = tpu.memref_slice %arg5[%dma_start3A_34] : memref<6400xi32, #tpu.memory_space<vmem>> -> memref<128xi32, #tpu.memory_space<vmem>>
    %dma_start3A_36 = arith.constant 0 : i32
    %dma_start3A_37 = arith.constant 0 : i32
    %dma_start3A_38 = tpu.memref_slice %arg3[%dma_start3A_36, %dma_start3A_37] : memref<100000x128xf32, #tpu.memory_space<hbm>> -> memref<100000x128xf32, #tpu.memory_space<hbm>>
    %dma_start3A_39 = tpu.memref_slice %arg7[%dma_start3A_29] : memref<5x!tpu.dma_semaphore, #tpu.memory_space<semaphore_mem>> -> memref<1x!tpu.dma_semaphore, #tpu.memory_space<semaphore_mem>>
    %dma_start3A_40 = tpu.memref_squeeze %dma_start3A_39 : memref<1x!tpu.dma_semaphore, #tpu.memory_space<semaphore_mem>> -> memref<!tpu.dma_semaphore, #tpu.memory_space<semaphore_mem>>
    tpu.enqueue_indirect_dma source(%dma_start3A_38 : memref<100000x128xf32, #tpu.memory_space<hbm>>) target(%dma_start3A_33 : memref<128x128xf32, #tpu.memory_space<vmem>>) offsets(%dma_start3A_35 : memref<128xi32, #tpu.memory_space<vmem>>) semaphore(%dma_start3A_40 : memref<!tpu.dma_semaphore, #tpu.memory_space<semaphore_mem>>)
    %dma_start3A_41 = arith.constant 3 : i32
    %dma_start3A_42 = arith.constant 3 : i32
    %dma_start3A_43 = arith.constant 0 : i32
    %dma_start3A_44 = arith.constant 0 : i32
    %dma_start3A_45 = tpu.memref_slice %arg6[%dma_start3A_41, %dma_start3A_43, %dma_start3A_44] : memref<5x128x128xf32, #tpu.memory_space<vmem>> -> memref<1x128x128xf32, #tpu.memory_space<vmem>>
    %dma_start3A_46 = tpu.memref_squeeze %dma_start3A_45 : memref<1x128x128xf32, #tpu.memory_space<vmem>> -> memref<128x128xf32, #tpu.memory_space<vmem>>
    %dma_start3A_47 = arith.constant 384 : i32
    %dma_start3A_48 = tpu.memref_slice %arg5[%dma_start3A_47] : memref<6400xi32, #tpu.memory_space<vmem>> -> memref<128xi32, #tpu.memory_space<vmem>>
    %dma_start3A_49 = arith.constant 0 : i32
    %dma_start3A_50 = arith.constant 0 : i32
    %dma_start3A_51 = tpu.memref_slice %arg3[%dma_start3A_49, %dma_start3A_50] : memref<100000x128xf32, #tpu.memory_space<hbm>> -> memref<100000x128xf32, #tpu.memory_space<hbm>>
    %dma_start3A_52 = tpu.memref_slice %arg7[%dma_start3A_42] : memref<5x!tpu.dma_semaphore, #tpu.memory_space<semaphore_mem>> -> memref<1x!tpu.dma_semaphore, #tpu.memory_space<semaphore_mem>>
    %dma_start3A_53 = tpu.memref_squeeze %dma_start3A_52 : memref<1x!tpu.dma_semaphore, #tpu.memory_space<semaphore_mem>> -> memref<!tpu.dma_semaphore, #tpu.memory_space<semaphore_mem>>
    tpu.enqueue_indirect_dma source(%dma_start3A_51 : memref<100000x128xf32, #tpu.memory_space<hbm>>) target(%dma_start3A_46 : memref<128x128xf32, #tpu.memory_space<vmem>>) offsets(%dma_start3A_48 : memref<128xi32, #tpu.memory_space<vmem>>) semaphore(%dma_start3A_53 : memref<!tpu.dma_semaphore, #tpu.memory_space<semaphore_mem>>)
    %dma_start3A_54 = arith.constant 4 : i32
    %dma_start3A_55 = arith.constant 4 : i32
    %dma_start3A_56 = arith.constant 0 : i32
    %dma_start3A_57 = arith.constant 0 : i32
    %dma_start3A_58 = tpu.memref_slice %arg6[%dma_start3A_54, %dma_start3A_56, %dma_start3A_57] : memref<5x128x128xf32, #tpu.memory_space<vmem>> -> memref<1x128x128xf32, #tpu.memory_space<vmem>>
    %dma_start3A_59 = tpu.memref_squeeze %dma_start3A_58 : memref<1x128x128xf32, #tpu.memory_space<vmem>> -> memref<128x128xf32, #tpu.memory_space<vmem>>
    %dma_start3A_60 = arith.constant 512 : i32
    %dma_start3A_61 = tpu.memref_slice %arg5[%dma_start3A_60] : memref<6400xi32, #tpu.memory_space<vmem>> -> memref<128xi32, #tpu.memory_space<vmem>>
    %dma_start3A_62 = arith.constant 0 : i32
    %dma_start3A_63 = arith.constant 0 : i32
    %dma_start3A_64 = tpu.memref_slice %arg3[%dma_start3A_62, %dma_start3A_63] : memref<100000x128xf32, #tpu.memory_space<hbm>> -> memref<100000x128xf32, #tpu.memory_space<hbm>>
    %dma_start3A_65 = tpu.memref_slice %arg7[%dma_start3A_55] : memref<5x!tpu.dma_semaphore, #tpu.memory_space<semaphore_mem>> -> memref<1x!tpu.dma_semaphore, #tpu.memory_space<semaphore_mem>>
    %dma_start3A_66 = tpu.memref_squeeze %dma_start3A_65 : memref<1x!tpu.dma_semaphore, #tpu.memory_space<semaphore_mem>> -> memref<!tpu.dma_semaphore, #tpu.memory_space<semaphore_mem>>
    tpu.enqueue_indirect_dma source(%dma_start3A_64 : memref<100000x128xf32, #tpu.memory_space<hbm>>) target(%dma_start3A_59 : memref<128x128xf32, #tpu.memory_space<vmem>>) offsets(%dma_start3A_61 : memref<128xi32, #tpu.memory_space<vmem>>) semaphore(%dma_start3A_66 : memref<!tpu.dma_semaphore, #tpu.memory_space<semaphore_mem>>)
    %scan3A = arith.constant 0 : i32
    %scan3A_67 = arith.constant 0 : i32
    %scan3A_68 = arith.constant 10 : i32
    %scan3A_69 = arith.addi %scan3A_67, %scan3A_68 : i32
    %scan3A_70 = arith.constant 1 : i32
    scf.for %scan3A_72 = %scan3A_67 to %scan3A_69 step %scan3A_70  : i32 {
      %mul3A_73 = arith.constant 5 : i32
      %mul3A_74 = arith.muli %scan3A_72, %mul3A_73 : i32
      %add3A_75 = arith.constant 0 : i32
      %add3A_76 = arith.addi %mul3A_74, %add3A_75 : i32
      %mul3A_77 = arith.constant 128 : i32
      %mul3A_78 = arith.muli %add3A_76, %mul3A_77 : i32
      %dma_wait3A = arith.constant 0 : i32
      %dma_wait3A_79 = arith.constant 0 : i32
      %dma_wait3A_80 = arith.constant 0 : i32
      %dma_wait3A_81 = arith.constant 0 : i32
      %dma_wait3A_82 = tpu.memref_slice %arg6[%dma_wait3A, %dma_wait3A_80, %dma_wait3A_81] : memref<5x128x128xf32, #tpu.memory_space<vmem>> -> memref<1x128x128xf32, #tpu.memory_space<vmem>>
      %dma_wait3A_83 = tpu.memref_squeeze %dma_wait3A_82 : memref<1x128x128xf32, #tpu.memory_space<vmem>> -> memref<128x128xf32, #tpu.memory_space<vmem>>
      %dma_wait3A_84 = tpu.memref_slice %arg5[%mul3A_78] : memref<6400xi32, #tpu.memory_space<vmem>> -> memref<128xi32, #tpu.memory_space<vmem>>
      %dma_wait3A_85 = arith.constant 0 : i32
      %dma_wait3A_86 = arith.constant 0 : i32
      %dma_wait3A_87 = tpu.memref_slice %arg3[%dma_wait3A_85, %dma_wait3A_86] : memref<100000x128xf32, #tpu.memory_space<hbm>> -> memref<100000x128xf32, #tpu.memory_space<hbm>>
      %dma_wait3A_88 = tpu.memref_slice %arg7[%dma_wait3A_79] : memref<5x!tpu.dma_semaphore, #tpu.memory_space<semaphore_mem>> -> memref<1x!tpu.dma_semaphore, #tpu.memory_space<semaphore_mem>>
      %dma_wait3A_89 = tpu.memref_squeeze %dma_wait3A_88 : memref<1x!tpu.dma_semaphore, #tpu.memory_space<semaphore_mem>> -> memref<!tpu.dma_semaphore, #tpu.memory_space<semaphore_mem>>
      tpu.wait_indirect_dma semaphore(%dma_wait3A_89 : memref<!tpu.dma_semaphore, #tpu.memory_space<semaphore_mem>>) src(%dma_wait3A_87 : memref<100000x128xf32, #tpu.memory_space<hbm>>) dst(%dma_wait3A_83 : memref<128x128xf32, #tpu.memory_space<vmem>>)
      %mul3A_90 = arith.constant 128 : i32
      %mul3A_91 = arith.muli %add3A_76, %mul3A_90 : i32
      %add3A_92 = arith.addi %mul3A_2, %mul3A_91 : i32
      %run_scoped3A = arith.constant 0 : i32
      "tpu.region"() ({
        %run_scoped3A_205 = tpu.sem_alloc : memref<!tpu.dma_semaphore, #tpu.memory_space<semaphore_mem>>
        %dma_start3A_206 = arith.constant 0 : i32
        %dma_start3A_207 = arith.constant 0 : i32
        %dma_start3A_208 = tpu.memref_slice %arg6[%run_scoped3A, %dma_start3A_206, %dma_start3A_207] : memref<5x128x128xf32, #tpu.memory_space<vmem>> -> memref<1x128x128xf32, #tpu.memory_space<vmem>>
        %dma_start3A_209 = tpu.memref_squeeze %dma_start3A_208 : memref<1x128x128xf32, #tpu.memory_space<vmem>> -> memref<128x128xf32, #tpu.memory_space<vmem>>
        %dma_start3A_210 = arith.constant 0 : i32
        %dma_start3A_211 = tpu.memref_slice %arg4[%add3A_92, %dma_start3A_210] : memref<204800x128xf32, #tpu.memory_space<hbm>> -> memref<128x128xf32, #tpu.memory_space<hbm>>
        %dma_start3A_212 = arith.constant 0 : i32
        %dma_start3A_213 = tpu.memref_slice %arg4[%add3A_92, %dma_start3A_212] : memref<204800x128xf32, #tpu.memory_space<hbm>> -> memref<128x128xf32, #tpu.memory_space<hbm>>
        %dma_start3A_214 = arith.constant 0 : i32
        %dma_start3A_215 = arith.constant 0 : i32
        %dma_start3A_216 = tpu.memref_slice %arg6[%run_scoped3A, %dma_start3A_214, %dma_start3A_215] : memref<5x128x128xf32, #tpu.memory_space<vmem>> -> memref<1x128x128xf32, #tpu.memory_space<vmem>>
        %dma_start3A_217 = tpu.memref_squeeze %dma_start3A_216 : memref<1x128x128xf32, #tpu.memory_space<vmem>> -> memref<128x128xf32, #tpu.memory_space<vmem>>
        tpu.enqueue_dma source(%dma_start3A_217 : memref<128x128xf32, #tpu.memory_space<vmem>>) target(%dma_start3A_213 : memref<128x128xf32, #tpu.memory_space<hbm>>) target_semaphore(%run_scoped3A_205 : memref<!tpu.dma_semaphore, #tpu.memory_space<semaphore_mem>>)
        %dma_wait3A_218 = arith.constant 0 : i32
        %dma_wait3A_219 = arith.constant 0 : i32
        %dma_wait3A_220 = tpu.memref_slice %arg6[%run_scoped3A, %dma_wait3A_218, %dma_wait3A_219] : memref<5x128x128xf32, #tpu.memory_space<vmem>> -> memref<1x128x128xf32, #tpu.memory_space<vmem>>
        %dma_wait3A_221 = tpu.memref_squeeze %dma_wait3A_220 : memref<1x128x128xf32, #tpu.memory_space<vmem>> -> memref<128x128xf32, #tpu.memory_space<vmem>>
        %dma_wait3A_222 = arith.constant 0 : i32
        %dma_wait3A_223 = tpu.memref_slice %arg4[%add3A_92, %dma_wait3A_222] : memref<204800x128xf32, #tpu.memory_space<hbm>> -> memref<128x128xf32, #tpu.memory_space<hbm>>
        %dma_wait3A_224 = arith.constant 0 : i32
        %dma_wait3A_225 = tpu.memref_slice %arg4[%add3A_92, %dma_wait3A_224] : memref<204800x128xf32, #tpu.memory_space<hbm>> -> memref<128x128xf32, #tpu.memory_space<hbm>>
        %dma_wait3A_226 = arith.constant 0 : i32
        %dma_wait3A_227 = arith.constant 0 : i32
        %dma_wait3A_228 = tpu.memref_slice %arg6[%run_scoped3A, %dma_wait3A_226, %dma_wait3A_227] : memref<5x128x128xf32, #tpu.memory_space<vmem>> -> memref<1x128x128xf32, #tpu.memory_space<vmem>>
        %dma_wait3A_229 = tpu.memref_squeeze %dma_wait3A_228 : memref<1x128x128xf32, #tpu.memory_space<vmem>> -> memref<128x128xf32, #tpu.memory_space<vmem>>
        tpu.wait_dma2 semaphore(%run_scoped3A_205 : memref<!tpu.dma_semaphore, #tpu.memory_space<semaphore_mem>>) src(%dma_wait3A_229 : memref<128x128xf32, #tpu.memory_space<vmem>>) dst(%dma_wait3A_225 : memref<128x128xf32, #tpu.memory_space<hbm>>)
        tpu.yield
      }) : () -> ()
      %add3A_93 = arith.constant 5 : i32
      %add3A_94 = arith.addi %add3A_76, %add3A_93 : i32
      %lt3A = arith.constant 50 : i32
      %lt3A_95 = arith.cmpi slt, %add3A_94, %lt3A : i32
      %convert_element_type3A = arith.extui %lt3A_95 : i1 to i32
      %cond3A = arith.constant 0 : i32
      %cond3A_96 = arith.cmpi ne, %convert_element_type3A, %cond3A : i32
      scf.if %cond3A_96 {
        %add3A_205 = arith.constant 5 : i32
        %add3A_206 = arith.addi %add3A_76, %add3A_205 : i32
        %mul3A_207 = arith.constant 128 : i32
        %mul3A_208 = arith.muli %add3A_206, %mul3A_207 : i32
        %dma_start3A_209 = arith.constant 0 : i32
        %dma_start3A_210 = arith.constant 0 : i32
        %dma_start3A_211 = arith.constant 0 : i32
        %dma_start3A_212 = arith.constant 0 : i32
        %dma_start3A_213 = tpu.memref_slice %arg6[%dma_start3A_209, %dma_start3A_211, %dma_start3A_212] : memref<5x128x128xf32, #tpu.memory_space<vmem>> -> memref<1x128x128xf32, #tpu.memory_space<vmem>>
        %dma_start3A_214 = tpu.memref_squeeze %dma_start3A_213 : memref<1x128x128xf32, #tpu.memory_space<vmem>> -> memref<128x128xf32, #tpu.memory_space<vmem>>
        %dma_start3A_215 = tpu.memref_slice %arg5[%mul3A_208] : memref<6400xi32, #tpu.memory_space<vmem>> -> memref<128xi32, #tpu.memory_space<vmem>>
        %dma_start3A_216 = arith.constant 0 : i32
        %dma_start3A_217 = arith.constant 0 : i32
        %dma_start3A_218 = tpu.memref_slice %arg3[%dma_start3A_216, %dma_start3A_217] : memref<100000x128xf32, #tpu.memory_space<hbm>> -> memref<100000x128xf32, #tpu.memory_space<hbm>>
        %dma_start3A_219 = tpu.memref_slice %arg7[%dma_start3A_210] : memref<5x!tpu.dma_semaphore, #tpu.memory_space<semaphore_mem>> -> memref<1x!tpu.dma_semaphore, #tpu.memory_space<semaphore_mem>>
        %dma_start3A_220 = tpu.memref_squeeze %dma_start3A_219 : memref<1x!tpu.dma_semaphore, #tpu.memory_space<semaphore_mem>> -> memref<!tpu.dma_semaphore, #tpu.memory_space<semaphore_mem>>
        tpu.enqueue_indirect_dma source(%dma_start3A_218 : memref<100000x128xf32, #tpu.memory_space<hbm>>) target(%dma_start3A_214 : memref<128x128xf32, #tpu.memory_space<vmem>>) offsets(%dma_start3A_215 : memref<128xi32, #tpu.memory_space<vmem>>) semaphore(%dma_start3A_220 : memref<!tpu.dma_semaphore, #tpu.memory_space<semaphore_mem>>)
      } else {
      }
      %add3A_97 = arith.constant 1 : i32
      %add3A_98 = arith.addi %mul3A_74, %add3A_97 : i32
      %mul3A_99 = arith.constant 128 : i32
      %mul3A_100 = arith.muli %add3A_98, %mul3A_99 : i32
      %dma_wait3A_101 = arith.constant 1 : i32
      %dma_wait3A_102 = arith.constant 1 : i32
      %dma_wait3A_103 = arith.constant 0 : i32
      %dma_wait3A_104 = arith.constant 0 : i32
      %dma_wait3A_105 = tpu.memref_slice %arg6[%dma_wait3A_101, %dma_wait3A_103, %dma_wait3A_104] : memref<5x128x128xf32, #tpu.memory_space<vmem>> -> memref<1x128x128xf32, #tpu.memory_space<vmem>>
      %dma_wait3A_106 = tpu.memref_squeeze %dma_wait3A_105 : memref<1x128x128xf32, #tpu.memory_space<vmem>> -> memref<128x128xf32, #tpu.memory_space<vmem>>
      %dma_wait3A_107 = tpu.memref_slice %arg5[%mul3A_100] : memref<6400xi32, #tpu.memory_space<vmem>> -> memref<128xi32, #tpu.memory_space<vmem>>
      %dma_wait3A_108 = arith.constant 0 : i32
      %dma_wait3A_109 = arith.constant 0 : i32
      %dma_wait3A_110 = tpu.memref_slice %arg3[%dma_wait3A_108, %dma_wait3A_109] : memref<100000x128xf32, #tpu.memory_space<hbm>> -> memref<100000x128xf32, #tpu.memory_space<hbm>>
      %dma_wait3A_111 = tpu.memref_slice %arg7[%dma_wait3A_102] : memref<5x!tpu.dma_semaphore, #tpu.memory_space<semaphore_mem>> -> memref<1x!tpu.dma_semaphore, #tpu.memory_space<semaphore_mem>>
      %dma_wait3A_112 = tpu.memref_squeeze %dma_wait3A_111 : memref<1x!tpu.dma_semaphore, #tpu.memory_space<semaphore_mem>> -> memref<!tpu.dma_semaphore, #tpu.memory_space<semaphore_mem>>
      tpu.wait_indirect_dma semaphore(%dma_wait3A_112 : memref<!tpu.dma_semaphore, #tpu.memory_space<semaphore_mem>>) src(%dma_wait3A_110 : memref<100000x128xf32, #tpu.memory_space<hbm>>) dst(%dma_wait3A_106 : memref<128x128xf32, #tpu.memory_space<vmem>>)
      %mul3A_113 = arith.constant 128 : i32
      %mul3A_114 = arith.muli %add3A_98, %mul3A_113 : i32
      %add3A_115 = arith.addi %mul3A_2, %mul3A_114 : i32
      %run_scoped3A_116 = arith.constant 1 : i32
      "tpu.region"() ({
        %run_scoped3A_205 = tpu.sem_alloc : memref<!tpu.dma_semaphore, #tpu.memory_space<semaphore_mem>>
        %dma_start3A_206 = arith.constant 0 : i32
        %dma_start3A_207 = arith.constant 0 : i32
        %dma_start3A_208 = tpu.memref_slice %arg6[%run_scoped3A_116, %dma_start3A_206, %dma_start3A_207] : memref<5x128x128xf32, #tpu.memory_space<vmem>> -> memref<1x128x128xf32, #tpu.memory_space<vmem>>
        %dma_start3A_209 = tpu.memref_squeeze %dma_start3A_208 : memref<1x128x128xf32, #tpu.memory_space<vmem>> -> memref<128x128xf32, #tpu.memory_space<vmem>>
        %dma_start3A_210 = arith.constant 0 : i32
        %dma_start3A_211 = tpu.memref_slice %arg4[%add3A_115, %dma_start3A_210] : memref<204800x128xf32, #tpu.memory_space<hbm>> -> memref<128x128xf32, #tpu.memory_space<hbm>>
        %dma_start3A_212 = arith.constant 0 : i32
        %dma_start3A_213 = tpu.memref_slice %arg4[%add3A_115, %dma_start3A_212] : memref<204800x128xf32, #tpu.memory_space<hbm>> -> memref<128x128xf32, #tpu.memory_space<hbm>>
        %dma_start3A_214 = arith.constant 0 : i32
        %dma_start3A_215 = arith.constant 0 : i32
        %dma_start3A_216 = tpu.memref_slice %arg6[%run_scoped3A_116, %dma_start3A_214, %dma_start3A_215] : memref<5x128x128xf32, #tpu.memory_space<vmem>> -> memref<1x128x128xf32, #tpu.memory_space<vmem>>
        %dma_start3A_217 = tpu.memref_squeeze %dma_start3A_216 : memref<1x128x128xf32, #tpu.memory_space<vmem>> -> memref<128x128xf32, #tpu.memory_space<vmem>>
        tpu.enqueue_dma source(%dma_start3A_217 : memref<128x128xf32, #tpu.memory_space<vmem>>) target(%dma_start3A_213 : memref<128x128xf32, #tpu.memory_space<hbm>>) target_semaphore(%run_scoped3A_205 : memref<!tpu.dma_semaphore, #tpu.memory_space<semaphore_mem>>)
        %dma_wait3A_218 = arith.constant 0 : i32
        %dma_wait3A_219 = arith.constant 0 : i32
        %dma_wait3A_220 = tpu.memref_slice %arg6[%run_scoped3A_116, %dma_wait3A_218, %dma_wait3A_219] : memref<5x128x128xf32, #tpu.memory_space<vmem>> -> memref<1x128x128xf32, #tpu.memory_space<vmem>>
        %dma_wait3A_221 = tpu.memref_squeeze %dma_wait3A_220 : memref<1x128x128xf32, #tpu.memory_space<vmem>> -> memref<128x128xf32, #tpu.memory_space<vmem>>
        %dma_wait3A_222 = arith.constant 0 : i32
        %dma_wait3A_223 = tpu.memref_slice %arg4[%add3A_115, %dma_wait3A_222] : memref<204800x128xf32, #tpu.memory_space<hbm>> -> memref<128x128xf32, #tpu.memory_space<hbm>>
        %dma_wait3A_224 = arith.constant 0 : i32
        %dma_wait3A_225 = tpu.memref_slice %arg4[%add3A_115, %dma_wait3A_224] : memref<204800x128xf32, #tpu.memory_space<hbm>> -> memref<128x128xf32, #tpu.memory_space<hbm>>
        %dma_wait3A_226 = arith.constant 0 : i32
        %dma_wait3A_227 = arith.constant 0 : i32
        %dma_wait3A_228 = tpu.memref_slice %arg6[%run_scoped3A_116, %dma_wait3A_226, %dma_wait3A_227] : memref<5x128x128xf32, #tpu.memory_space<vmem>> -> memref<1x128x128xf32, #tpu.memory_space<vmem>>
        %dma_wait3A_229 = tpu.memref_squeeze %dma_wait3A_228 : memref<1x128x128xf32, #tpu.memory_space<vmem>> -> memref<128x128xf32, #tpu.memory_space<vmem>>
        tpu.wait_dma2 semaphore(%run_scoped3A_205 : memref<!tpu.dma_semaphore, #tpu.memory_space<semaphore_mem>>) src(%dma_wait3A_229 : memref<128x128xf32, #tpu.memory_space<vmem>>) dst(%dma_wait3A_225 : memref<128x128xf32, #tpu.memory_space<hbm>>)
        tpu.yield
      }) : () -> ()
      %add3A_117 = arith.constant 5 : i32
      %add3A_118 = arith.addi %add3A_98, %add3A_117 : i32
      %lt3A_119 = arith.constant 50 : i32
      %lt3A_120 = arith.cmpi slt, %add3A_118, %lt3A_119 : i32
      %convert_element_type3A_121 = arith.extui %lt3A_120 : i1 to i32
      %cond3A_122 = arith.constant 0 : i32
      %cond3A_123 = arith.cmpi ne, %convert_element_type3A_121, %cond3A_122 : i32
      scf.if %cond3A_123 {
        %add3A_205 = arith.constant 5 : i32
        %add3A_206 = arith.addi %add3A_98, %add3A_205 : i32
        %mul3A_207 = arith.constant 128 : i32
        %mul3A_208 = arith.muli %add3A_206, %mul3A_207 : i32
        %dma_start3A_209 = arith.constant 1 : i32
        %dma_start3A_210 = arith.constant 1 : i32
        %dma_start3A_211 = arith.constant 0 : i32
        %dma_start3A_212 = arith.constant 0 : i32
        %dma_start3A_213 = tpu.memref_slice %arg6[%dma_start3A_209, %dma_start3A_211, %dma_start3A_212] : memref<5x128x128xf32, #tpu.memory_space<vmem>> -> memref<1x128x128xf32, #tpu.memory_space<vmem>>
        %dma_start3A_214 = tpu.memref_squeeze %dma_start3A_213 : memref<1x128x128xf32, #tpu.memory_space<vmem>> -> memref<128x128xf32, #tpu.memory_space<vmem>>
        %dma_start3A_215 = tpu.memref_slice %arg5[%mul3A_208] : memref<6400xi32, #tpu.memory_space<vmem>> -> memref<128xi32, #tpu.memory_space<vmem>>
        %dma_start3A_216 = arith.constant 0 : i32
        %dma_start3A_217 = arith.constant 0 : i32
        %dma_start3A_218 = tpu.memref_slice %arg3[%dma_start3A_216, %dma_start3A_217] : memref<100000x128xf32, #tpu.memory_space<hbm>> -> memref<100000x128xf32, #tpu.memory_space<hbm>>
        %dma_start3A_219 = tpu.memref_slice %arg7[%dma_start3A_210] : memref<5x!tpu.dma_semaphore, #tpu.memory_space<semaphore_mem>> -> memref<1x!tpu.dma_semaphore, #tpu.memory_space<semaphore_mem>>
        %dma_start3A_220 = tpu.memref_squeeze %dma_start3A_219 : memref<1x!tpu.dma_semaphore, #tpu.memory_space<semaphore_mem>> -> memref<!tpu.dma_semaphore, #tpu.memory_space<semaphore_mem>>
        tpu.enqueue_indirect_dma source(%dma_start3A_218 : memref<100000x128xf32, #tpu.memory_space<hbm>>) target(%dma_start3A_214 : memref<128x128xf32, #tpu.memory_space<vmem>>) offsets(%dma_start3A_215 : memref<128xi32, #tpu.memory_space<vmem>>) semaphore(%dma_start3A_220 : memref<!tpu.dma_semaphore, #tpu.memory_space<semaphore_mem>>)
      } else {
      }
      %add3A_124 = arith.constant 2 : i32
      %add3A_125 = arith.addi %mul3A_74, %add3A_124 : i32
      %mul3A_126 = arith.constant 128 : i32
      %mul3A_127 = arith.muli %add3A_125, %mul3A_126 : i32
      %dma_wait3A_128 = arith.constant 2 : i32
      %dma_wait3A_129 = arith.constant 2 : i32
      %dma_wait3A_130 = arith.constant 0 : i32
      %dma_wait3A_131 = arith.constant 0 : i32
      %dma_wait3A_132 = tpu.memref_slice %arg6[%dma_wait3A_128, %dma_wait3A_130, %dma_wait3A_131] : memref<5x128x128xf32, #tpu.memory_space<vmem>> -> memref<1x128x128xf32, #tpu.memory_space<vmem>>
      %dma_wait3A_133 = tpu.memref_squeeze %dma_wait3A_132 : memref<1x128x128xf32, #tpu.memory_space<vmem>> -> memref<128x128xf32, #tpu.memory_space<vmem>>
      %dma_wait3A_134 = tpu.memref_slice %arg5[%mul3A_127] : memref<6400xi32, #tpu.memory_space<vmem>> -> memref<128xi32, #tpu.memory_space<vmem>>
      %dma_wait3A_135 = arith.constant 0 : i32
      %dma_wait3A_136 = arith.constant 0 : i32
      %dma_wait3A_137 = tpu.memref_slice %arg3[%dma_wait3A_135, %dma_wait3A_136] : memref<100000x128xf32, #tpu.memory_space<hbm>> -> memref<100000x128xf32, #tpu.memory_space<hbm>>
      %dma_wait3A_138 = tpu.memref_slice %arg7[%dma_wait3A_129] : memref<5x!tpu.dma_semaphore, #tpu.memory_space<semaphore_mem>> -> memref<1x!tpu.dma_semaphore, #tpu.memory_space<semaphore_mem>>
      %dma_wait3A_139 = tpu.memref_squeeze %dma_wait3A_138 : memref<1x!tpu.dma_semaphore, #tpu.memory_space<semaphore_mem>> -> memref<!tpu.dma_semaphore, #tpu.memory_space<semaphore_mem>>
      tpu.wait_indirect_dma semaphore(%dma_wait3A_139 : memref<!tpu.dma_semaphore, #tpu.memory_space<semaphore_mem>>) src(%dma_wait3A_137 : memref<100000x128xf32, #tpu.memory_space<hbm>>) dst(%dma_wait3A_133 : memref<128x128xf32, #tpu.memory_space<vmem>>)
      %mul3A_140 = arith.constant 128 : i32
      %mul3A_141 = arith.muli %add3A_125, %mul3A_140 : i32
      %add3A_142 = arith.addi %mul3A_2, %mul3A_141 : i32
      %run_scoped3A_143 = arith.constant 2 : i32
      "tpu.region"() ({
        %run_scoped3A_205 = tpu.sem_alloc : memref<!tpu.dma_semaphore, #tpu.memory_space<semaphore_mem>>
        %dma_start3A_206 = arith.constant 0 : i32
        %dma_start3A_207 = arith.constant 0 : i32
        %dma_start3A_208 = tpu.memref_slice %arg6[%run_scoped3A_143, %dma_start3A_206, %dma_start3A_207] : memref<5x128x128xf32, #tpu.memory_space<vmem>> -> memref<1x128x128xf32, #tpu.memory_space<vmem>>
        %dma_start3A_209 = tpu.memref_squeeze %dma_start3A_208 : memref<1x128x128xf32, #tpu.memory_space<vmem>> -> memref<128x128xf32, #tpu.memory_space<vmem>>
        %dma_start3A_210 = arith.constant 0 : i32
        %dma_start3A_211 = tpu.memref_slice %arg4[%add3A_142, %dma_start3A_210] : memref<204800x128xf32, #tpu.memory_space<hbm>> -> memref<128x128xf32, #tpu.memory_space<hbm>>
        %dma_start3A_212 = arith.constant 0 : i32
        %dma_start3A_213 = tpu.memref_slice %arg4[%add3A_142, %dma_start3A_212] : memref<204800x128xf32, #tpu.memory_space<hbm>> -> memref<128x128xf32, #tpu.memory_space<hbm>>
        %dma_start3A_214 = arith.constant 0 : i32
        %dma_start3A_215 = arith.constant 0 : i32
        %dma_start3A_216 = tpu.memref_slice %arg6[%run_scoped3A_143, %dma_start3A_214, %dma_start3A_215] : memref<5x128x128xf32, #tpu.memory_space<vmem>> -> memref<1x128x128xf32, #tpu.memory_space<vmem>>
        %dma_start3A_217 = tpu.memref_squeeze %dma_start3A_216 : memref<1x128x128xf32, #tpu.memory_space<vmem>> -> memref<128x128xf32, #tpu.memory_space<vmem>>
        tpu.enqueue_dma source(%dma_start3A_217 : memref<128x128xf32, #tpu.memory_space<vmem>>) target(%dma_start3A_213 : memref<128x128xf32, #tpu.memory_space<hbm>>) target_semaphore(%run_scoped3A_205 : memref<!tpu.dma_semaphore, #tpu.memory_space<semaphore_mem>>)
        %dma_wait3A_218 = arith.constant 0 : i32
        %dma_wait3A_219 = arith.constant 0 : i32
        %dma_wait3A_220 = tpu.memref_slice %arg6[%run_scoped3A_143, %dma_wait3A_218, %dma_wait3A_219] : memref<5x128x128xf32, #tpu.memory_space<vmem>> -> memref<1x128x128xf32, #tpu.memory_space<vmem>>
        %dma_wait3A_221 = tpu.memref_squeeze %dma_wait3A_220 : memref<1x128x128xf32, #tpu.memory_space<vmem>> -> memref<128x128xf32, #tpu.memory_space<vmem>>
        %dma_wait3A_222 = arith.constant 0 : i32
        %dma_wait3A_223 = tpu.memref_slice %arg4[%add3A_142, %dma_wait3A_222] : memref<204800x128xf32, #tpu.memory_space<hbm>> -> memref<128x128xf32, #tpu.memory_space<hbm>>
        %dma_wait3A_224 = arith.constant 0 : i32
        %dma_wait3A_225 = tpu.memref_slice %arg4[%add3A_142, %dma_wait3A_224] : memref<204800x128xf32, #tpu.memory_space<hbm>> -> memref<128x128xf32, #tpu.memory_space<hbm>>
        %dma_wait3A_226 = arith.constant 0 : i32
        %dma_wait3A_227 = arith.constant 0 : i32
        %dma_wait3A_228 = tpu.memref_slice %arg6[%run_scoped3A_143, %dma_wait3A_226, %dma_wait3A_227] : memref<5x128x128xf32, #tpu.memory_space<vmem>> -> memref<1x128x128xf32, #tpu.memory_space<vmem>>
        %dma_wait3A_229 = tpu.memref_squeeze %dma_wait3A_228 : memref<1x128x128xf32, #tpu.memory_space<vmem>> -> memref<128x128xf32, #tpu.memory_space<vmem>>
        tpu.wait_dma2 semaphore(%run_scoped3A_205 : memref<!tpu.dma_semaphore, #tpu.memory_space<semaphore_mem>>) src(%dma_wait3A_229 : memref<128x128xf32, #tpu.memory_space<vmem>>) dst(%dma_wait3A_225 : memref<128x128xf32, #tpu.memory_space<hbm>>)
        tpu.yield
      }) : () -> ()
      %add3A_144 = arith.constant 5 : i32
      %add3A_145 = arith.addi %add3A_125, %add3A_144 : i32
      %lt3A_146 = arith.constant 50 : i32
      %lt3A_147 = arith.cmpi slt, %add3A_145, %lt3A_146 : i32
      %convert_element_type3A_148 = arith.extui %lt3A_147 : i1 to i32
      %cond3A_149 = arith.constant 0 : i32
      %cond3A_150 = arith.cmpi ne, %convert_element_type3A_148, %cond3A_149 : i32
      scf.if %cond3A_150 {
        %add3A_205 = arith.constant 5 : i32
        %add3A_206 = arith.addi %add3A_125, %add3A_205 : i32
        %mul3A_207 = arith.constant 128 : i32
        %mul3A_208 = arith.muli %add3A_206, %mul3A_207 : i32
        %dma_start3A_209 = arith.constant 2 : i32
        %dma_start3A_210 = arith.constant 2 : i32
        %dma_start3A_211 = arith.constant 0 : i32
        %dma_start3A_212 = arith.constant 0 : i32
        %dma_start3A_213 = tpu.memref_slice %arg6[%dma_start3A_209, %dma_start3A_211, %dma_start3A_212] : memref<5x128x128xf32, #tpu.memory_space<vmem>> -> memref<1x128x128xf32, #tpu.memory_space<vmem>>
        %dma_start3A_214 = tpu.memref_squeeze %dma_start3A_213 : memref<1x128x128xf32, #tpu.memory_space<vmem>> -> memref<128x128xf32, #tpu.memory_space<vmem>>
        %dma_start3A_215 = tpu.memref_slice %arg5[%mul3A_208] : memref<6400xi32, #tpu.memory_space<vmem>> -> memref<128xi32, #tpu.memory_space<vmem>>
        %dma_start3A_216 = arith.constant 0 : i32
        %dma_start3A_217 = arith.constant 0 : i32
        %dma_start3A_218 = tpu.memref_slice %arg3[%dma_start3A_216, %dma_start3A_217] : memref<100000x128xf32, #tpu.memory_space<hbm>> -> memref<100000x128xf32, #tpu.memory_space<hbm>>
        %dma_start3A_219 = tpu.memref_slice %arg7[%dma_start3A_210] : memref<5x!tpu.dma_semaphore, #tpu.memory_space<semaphore_mem>> -> memref<1x!tpu.dma_semaphore, #tpu.memory_space<semaphore_mem>>
        %dma_start3A_220 = tpu.memref_squeeze %dma_start3A_219 : memref<1x!tpu.dma_semaphore, #tpu.memory_space<semaphore_mem>> -> memref<!tpu.dma_semaphore, #tpu.memory_space<semaphore_mem>>
        tpu.enqueue_indirect_dma source(%dma_start3A_218 : memref<100000x128xf32, #tpu.memory_space<hbm>>) target(%dma_start3A_214 : memref<128x128xf32, #tpu.memory_space<vmem>>) offsets(%dma_start3A_215 : memref<128xi32, #tpu.memory_space<vmem>>) semaphore(%dma_start3A_220 : memref<!tpu.dma_semaphore, #tpu.memory_space<semaphore_mem>>)
      } else {
      }
      %add3A_151 = arith.constant 3 : i32
      %add3A_152 = arith.addi %mul3A_74, %add3A_151 : i32
      %mul3A_153 = arith.constant 128 : i32
      %mul3A_154 = arith.muli %add3A_152, %mul3A_153 : i32
      %dma_wait3A_155 = arith.constant 3 : i32
      %dma_wait3A_156 = arith.constant 3 : i32
      %dma_wait3A_157 = arith.constant 0 : i32
      %dma_wait3A_158 = arith.constant 0 : i32
      %dma_wait3A_159 = tpu.memref_slice %arg6[%dma_wait3A_155, %dma_wait3A_157, %dma_wait3A_158] : memref<5x128x128xf32, #tpu.memory_space<vmem>> -> memref<1x128x128xf32, #tpu.memory_space<vmem>>
      %dma_wait3A_160 = tpu.memref_squeeze %dma_wait3A_159 : memref<1x128x128xf32, #tpu.memory_space<vmem>> -> memref<128x128xf32, #tpu.memory_space<vmem>>
      %dma_wait3A_161 = tpu.memref_slice %arg5[%mul3A_154] : memref<6400xi32, #tpu.memory_space<vmem>> -> memref<128xi32, #tpu.memory_space<vmem>>
      %dma_wait3A_162 = arith.constant 0 : i32
      %dma_wait3A_163 = arith.constant 0 : i32
      %dma_wait3A_164 = tpu.memref_slice %arg3[%dma_wait3A_162, %dma_wait3A_163] : memref<100000x128xf32, #tpu.memory_space<hbm>> -> memref<100000x128xf32, #tpu.memory_space<hbm>>
      %dma_wait3A_165 = tpu.memref_slice %arg7[%dma_wait3A_156] : memref<5x!tpu.dma_semaphore, #tpu.memory_space<semaphore_mem>> -> memref<1x!tpu.dma_semaphore, #tpu.memory_space<semaphore_mem>>
      %dma_wait3A_166 = tpu.memref_squeeze %dma_wait3A_165 : memref<1x!tpu.dma_semaphore, #tpu.memory_space<semaphore_mem>> -> memref<!tpu.dma_semaphore, #tpu.memory_space<semaphore_mem>>
      tpu.wait_indirect_dma semaphore(%dma_wait3A_166 : memref<!tpu.dma_semaphore, #tpu.memory_space<semaphore_mem>>) src(%dma_wait3A_164 : memref<100000x128xf32, #tpu.memory_space<hbm>>) dst(%dma_wait3A_160 : memref<128x128xf32, #tpu.memory_space<vmem>>)
      %mul3A_167 = arith.constant 128 : i32
      %mul3A_168 = arith.muli %add3A_152, %mul3A_167 : i32
      %add3A_169 = arith.addi %mul3A_2, %mul3A_168 : i32
      %run_scoped3A_170 = arith.constant 3 : i32
      "tpu.region"() ({
        %run_scoped3A_205 = tpu.sem_alloc : memref<!tpu.dma_semaphore, #tpu.memory_space<semaphore_mem>>
        %dma_start3A_206 = arith.constant 0 : i32
        %dma_start3A_207 = arith.constant 0 : i32
        %dma_start3A_208 = tpu.memref_slice %arg6[%run_scoped3A_170, %dma_start3A_206, %dma_start3A_207] : memref<5x128x128xf32, #tpu.memory_space<vmem>> -> memref<1x128x128xf32, #tpu.memory_space<vmem>>
        %dma_start3A_209 = tpu.memref_squeeze %dma_start3A_208 : memref<1x128x128xf32, #tpu.memory_space<vmem>> -> memref<128x128xf32, #tpu.memory_space<vmem>>
        %dma_start3A_210 = arith.constant 0 : i32
        %dma_start3A_211 = tpu.memref_slice %arg4[%add3A_169, %dma_start3A_210] : memref<204800x128xf32, #tpu.memory_space<hbm>> -> memref<128x128xf32, #tpu.memory_space<hbm>>
        %dma_start3A_212 = arith.constant 0 : i32
        %dma_start3A_213 = tpu.memref_slice %arg4[%add3A_169, %dma_start3A_212] : memref<204800x128xf32, #tpu.memory_space<hbm>> -> memref<128x128xf32, #tpu.memory_space<hbm>>
        %dma_start3A_214 = arith.constant 0 : i32
        %dma_start3A_215 = arith.constant 0 : i32
        %dma_start3A_216 = tpu.memref_slice %arg6[%run_scoped3A_170, %dma_start3A_214, %dma_start3A_215] : memref<5x128x128xf32, #tpu.memory_space<vmem>> -> memref<1x128x128xf32, #tpu.memory_space<vmem>>
        %dma_start3A_217 = tpu.memref_squeeze %dma_start3A_216 : memref<1x128x128xf32, #tpu.memory_space<vmem>> -> memref<128x128xf32, #tpu.memory_space<vmem>>
        tpu.enqueue_dma source(%dma_start3A_217 : memref<128x128xf32, #tpu.memory_space<vmem>>) target(%dma_start3A_213 : memref<128x128xf32, #tpu.memory_space<hbm>>) target_semaphore(%run_scoped3A_205 : memref<!tpu.dma_semaphore, #tpu.memory_space<semaphore_mem>>)
        %dma_wait3A_218 = arith.constant 0 : i32
        %dma_wait3A_219 = arith.constant 0 : i32
        %dma_wait3A_220 = tpu.memref_slice %arg6[%run_scoped3A_170, %dma_wait3A_218, %dma_wait3A_219] : memref<5x128x128xf32, #tpu.memory_space<vmem>> -> memref<1x128x128xf32, #tpu.memory_space<vmem>>
        %dma_wait3A_221 = tpu.memref_squeeze %dma_wait3A_220 : memref<1x128x128xf32, #tpu.memory_space<vmem>> -> memref<128x128xf32, #tpu.memory_space<vmem>>
        %dma_wait3A_222 = arith.constant 0 : i32
        %dma_wait3A_223 = tpu.memref_slice %arg4[%add3A_169, %dma_wait3A_222] : memref<204800x128xf32, #tpu.memory_space<hbm>> -> memref<128x128xf32, #tpu.memory_space<hbm>>
        %dma_wait3A_224 = arith.constant 0 : i32
        %dma_wait3A_225 = tpu.memref_slice %arg4[%add3A_169, %dma_wait3A_224] : memref<204800x128xf32, #tpu.memory_space<hbm>> -> memref<128x128xf32, #tpu.memory_space<hbm>>
        %dma_wait3A_226 = arith.constant 0 : i32
        %dma_wait3A_227 = arith.constant 0 : i32
        %dma_wait3A_228 = tpu.memref_slice %arg6[%run_scoped3A_170, %dma_wait3A_226, %dma_wait3A_227] : memref<5x128x128xf32, #tpu.memory_space<vmem>> -> memref<1x128x128xf32, #tpu.memory_space<vmem>>
        %dma_wait3A_229 = tpu.memref_squeeze %dma_wait3A_228 : memref<1x128x128xf32, #tpu.memory_space<vmem>> -> memref<128x128xf32, #tpu.memory_space<vmem>>
        tpu.wait_dma2 semaphore(%run_scoped3A_205 : memref<!tpu.dma_semaphore, #tpu.memory_space<semaphore_mem>>) src(%dma_wait3A_229 : memref<128x128xf32, #tpu.memory_space<vmem>>) dst(%dma_wait3A_225 : memref<128x128xf32, #tpu.memory_space<hbm>>)
        tpu.yield
      }) : () -> ()
      %add3A_171 = arith.constant 5 : i32
      %add3A_172 = arith.addi %add3A_152, %add3A_171 : i32
      %lt3A_173 = arith.constant 50 : i32
      %lt3A_174 = arith.cmpi slt, %add3A_172, %lt3A_173 : i32
      %convert_element_type3A_175 = arith.extui %lt3A_174 : i1 to i32
      %cond3A_176 = arith.constant 0 : i32
      %cond3A_177 = arith.cmpi ne, %convert_element_type3A_175, %cond3A_176 : i32
      scf.if %cond3A_177 {
        %add3A_205 = arith.constant 5 : i32
        %add3A_206 = arith.addi %add3A_152, %add3A_205 : i32
        %mul3A_207 = arith.constant 128 : i32
        %mul3A_208 = arith.muli %add3A_206, %mul3A_207 : i32
        %dma_start3A_209 = arith.constant 3 : i32
        %dma_start3A_210 = arith.constant 3 : i32
        %dma_start3A_211 = arith.constant 0 : i32
        %dma_start3A_212 = arith.constant 0 : i32
        %dma_start3A_213 = tpu.memref_slice %arg6[%dma_start3A_209, %dma_start3A_211, %dma_start3A_212] : memref<5x128x128xf32, #tpu.memory_space<vmem>> -> memref<1x128x128xf32, #tpu.memory_space<vmem>>
        %dma_start3A_214 = tpu.memref_squeeze %dma_start3A_213 : memref<1x128x128xf32, #tpu.memory_space<vmem>> -> memref<128x128xf32, #tpu.memory_space<vmem>>
        %dma_start3A_215 = tpu.memref_slice %arg5[%mul3A_208] : memref<6400xi32, #tpu.memory_space<vmem>> -> memref<128xi32, #tpu.memory_space<vmem>>
        %dma_start3A_216 = arith.constant 0 : i32
        %dma_start3A_217 = arith.constant 0 : i32
        %dma_start3A_218 = tpu.memref_slice %arg3[%dma_start3A_216, %dma_start3A_217] : memref<100000x128xf32, #tpu.memory_space<hbm>> -> memref<100000x128xf32, #tpu.memory_space<hbm>>
        %dma_start3A_219 = tpu.memref_slice %arg7[%dma_start3A_210] : memref<5x!tpu.dma_semaphore, #tpu.memory_space<semaphore_mem>> -> memref<1x!tpu.dma_semaphore, #tpu.memory_space<semaphore_mem>>
        %dma_start3A_220 = tpu.memref_squeeze %dma_start3A_219 : memref<1x!tpu.dma_semaphore, #tpu.memory_space<semaphore_mem>> -> memref<!tpu.dma_semaphore, #tpu.memory_space<semaphore_mem>>
        tpu.enqueue_indirect_dma source(%dma_start3A_218 : memref<100000x128xf32, #tpu.memory_space<hbm>>) target(%dma_start3A_214 : memref<128x128xf32, #tpu.memory_space<vmem>>) offsets(%dma_start3A_215 : memref<128xi32, #tpu.memory_space<vmem>>) semaphore(%dma_start3A_220 : memref<!tpu.dma_semaphore, #tpu.memory_space<semaphore_mem>>)
      } else {
      }
      %add3A_178 = arith.constant 4 : i32
      %add3A_179 = arith.addi %mul3A_74, %add3A_178 : i32
      %mul3A_180 = arith.constant 128 : i32
      %mul3A_181 = arith.muli %add3A_179, %mul3A_180 : i32
      %dma_wait3A_182 = arith.constant 4 : i32
      %dma_wait3A_183 = arith.constant 4 : i32
      %dma_wait3A_184 = arith.constant 0 : i32
      %dma_wait3A_185 = arith.constant 0 : i32
      %dma_wait3A_186 = tpu.memref_slice %arg6[%dma_wait3A_182, %dma_wait3A_184, %dma_wait3A_185] : memref<5x128x128xf32, #tpu.memory_space<vmem>> -> memref<1x128x128xf32, #tpu.memory_space<vmem>>
      %dma_wait3A_187 = tpu.memref_squeeze %dma_wait3A_186 : memref<1x128x128xf32, #tpu.memory_space<vmem>> -> memref<128x128xf32, #tpu.memory_space<vmem>>
      %dma_wait3A_188 = tpu.memref_slice %arg5[%mul3A_181] : memref<6400xi32, #tpu.memory_space<vmem>> -> memref<128xi32, #tpu.memory_space<vmem>>
      %dma_wait3A_189 = arith.constant 0 : i32
      %dma_wait3A_190 = arith.constant 0 : i32
      %dma_wait3A_191 = tpu.memref_slice %arg3[%dma_wait3A_189, %dma_wait3A_190] : memref<100000x128xf32, #tpu.memory_space<hbm>> -> memref<100000x128xf32, #tpu.memory_space<hbm>>
      %dma_wait3A_192 = tpu.memref_slice %arg7[%dma_wait3A_183] : memref<5x!tpu.dma_semaphore, #tpu.memory_space<semaphore_mem>> -> memref<1x!tpu.dma_semaphore, #tpu.memory_space<semaphore_mem>>
      %dma_wait3A_193 = tpu.memref_squeeze %dma_wait3A_192 : memref<1x!tpu.dma_semaphore, #tpu.memory_space<semaphore_mem>> -> memref<!tpu.dma_semaphore, #tpu.memory_space<semaphore_mem>>
      tpu.wait_indirect_dma semaphore(%dma_wait3A_193 : memref<!tpu.dma_semaphore, #tpu.memory_space<semaphore_mem>>) src(%dma_wait3A_191 : memref<100000x128xf32, #tpu.memory_space<hbm>>) dst(%dma_wait3A_187 : memref<128x128xf32, #tpu.memory_space<vmem>>)
      %mul3A_194 = arith.constant 128 : i32
      %mul3A_195 = arith.muli %add3A_179, %mul3A_194 : i32
      %add3A_196 = arith.addi %mul3A_2, %mul3A_195 : i32
      %run_scoped3A_197 = arith.constant 4 : i32
      "tpu.region"() ({
        %run_scoped3A_205 = tpu.sem_alloc : memref<!tpu.dma_semaphore, #tpu.memory_space<semaphore_mem>>
        %dma_start3A_206 = arith.constant 0 : i32
        %dma_start3A_207 = arith.constant 0 : i32
        %dma_start3A_208 = tpu.memref_slice %arg6[%run_scoped3A_197, %dma_start3A_206, %dma_start3A_207] : memref<5x128x128xf32, #tpu.memory_space<vmem>> -> memref<1x128x128xf32, #tpu.memory_space<vmem>>
        %dma_start3A_209 = tpu.memref_squeeze %dma_start3A_208 : memref<1x128x128xf32, #tpu.memory_space<vmem>> -> memref<128x128xf32, #tpu.memory_space<vmem>>
        %dma_start3A_210 = arith.constant 0 : i32
        %dma_start3A_211 = tpu.memref_slice %arg4[%add3A_196, %dma_start3A_210] : memref<204800x128xf32, #tpu.memory_space<hbm>> -> memref<128x128xf32, #tpu.memory_space<hbm>>
        %dma_start3A_212 = arith.constant 0 : i32
        %dma_start3A_213 = tpu.memref_slice %arg4[%add3A_196, %dma_start3A_212] : memref<204800x128xf32, #tpu.memory_space<hbm>> -> memref<128x128xf32, #tpu.memory_space<hbm>>
        %dma_start3A_214 = arith.constant 0 : i32
        %dma_start3A_215 = arith.constant 0 : i32
        %dma_start3A_216 = tpu.memref_slice %arg6[%run_scoped3A_197, %dma_start3A_214, %dma_start3A_215] : memref<5x128x128xf32, #tpu.memory_space<vmem>> -> memref<1x128x128xf32, #tpu.memory_space<vmem>>
        %dma_start3A_217 = tpu.memref_squeeze %dma_start3A_216 : memref<1x128x128xf32, #tpu.memory_space<vmem>> -> memref<128x128xf32, #tpu.memory_space<vmem>>
        tpu.enqueue_dma source(%dma_start3A_217 : memref<128x128xf32, #tpu.memory_space<vmem>>) target(%dma_start3A_213 : memref<128x128xf32, #tpu.memory_space<hbm>>) target_semaphore(%run_scoped3A_205 : memref<!tpu.dma_semaphore, #tpu.memory_space<semaphore_mem>>)
        %dma_wait3A_218 = arith.constant 0 : i32
        %dma_wait3A_219 = arith.constant 0 : i32
        %dma_wait3A_220 = tpu.memref_slice %arg6[%run_scoped3A_197, %dma_wait3A_218, %dma_wait3A_219] : memref<5x128x128xf32, #tpu.memory_space<vmem>> -> memref<1x128x128xf32, #tpu.memory_space<vmem>>
        %dma_wait3A_221 = tpu.memref_squeeze %dma_wait3A_220 : memref<1x128x128xf32, #tpu.memory_space<vmem>> -> memref<128x128xf32, #tpu.memory_space<vmem>>
        %dma_wait3A_222 = arith.constant 0 : i32
        %dma_wait3A_223 = tpu.memref_slice %arg4[%add3A_196, %dma_wait3A_222] : memref<204800x128xf32, #tpu.memory_space<hbm>> -> memref<128x128xf32, #tpu.memory_space<hbm>>
        %dma_wait3A_224 = arith.constant 0 : i32
        %dma_wait3A_225 = tpu.memref_slice %arg4[%add3A_196, %dma_wait3A_224] : memref<204800x128xf32, #tpu.memory_space<hbm>> -> memref<128x128xf32, #tpu.memory_space<hbm>>
        %dma_wait3A_226 = arith.constant 0 : i32
        %dma_wait3A_227 = arith.constant 0 : i32
        %dma_wait3A_228 = tpu.memref_slice %arg6[%run_scoped3A_197, %dma_wait3A_226, %dma_wait3A_227] : memref<5x128x128xf32, #tpu.memory_space<vmem>> -> memref<1x128x128xf32, #tpu.memory_space<vmem>>
        %dma_wait3A_229 = tpu.memref_squeeze %dma_wait3A_228 : memref<1x128x128xf32, #tpu.memory_space<vmem>> -> memref<128x128xf32, #tpu.memory_space<vmem>>
        tpu.wait_dma2 semaphore(%run_scoped3A_205 : memref<!tpu.dma_semaphore, #tpu.memory_space<semaphore_mem>>) src(%dma_wait3A_229 : memref<128x128xf32, #tpu.memory_space<vmem>>) dst(%dma_wait3A_225 : memref<128x128xf32, #tpu.memory_space<hbm>>)
        tpu.yield
      }) : () -> ()
      %add3A_198 = arith.constant 5 : i32
      %add3A_199 = arith.addi %add3A_179, %add3A_198 : i32
      %lt3A_200 = arith.constant 50 : i32
      %lt3A_201 = arith.cmpi slt, %add3A_199, %lt3A_200 : i32
      %convert_element_type3A_202 = arith.extui %lt3A_201 : i1 to i32
      %cond3A_203 = arith.constant 0 : i32
      %cond3A_204 = arith.cmpi ne, %convert_element_type3A_202, %cond3A_203 : i32
      scf.if %cond3A_204 {
        %add3A_205 = arith.constant 5 : i32
        %add3A_206 = arith.addi %add3A_179, %add3A_205 : i32
        %mul3A_207 = arith.constant 128 : i32
        %mul3A_208 = arith.muli %add3A_206, %mul3A_207 : i32
        %dma_start3A_209 = arith.constant 4 : i32
        %dma_start3A_210 = arith.constant 4 : i32
        %dma_start3A_211 = arith.constant 0 : i32
        %dma_start3A_212 = arith.constant 0 : i32
        %dma_start3A_213 = tpu.memref_slice %arg6[%dma_start3A_209, %dma_start3A_211, %dma_start3A_212] : memref<5x128x128xf32, #tpu.memory_space<vmem>> -> memref<1x128x128xf32, #tpu.memory_space<vmem>>
        %dma_start3A_214 = tpu.memref_squeeze %dma_start3A_213 : memref<1x128x128xf32, #tpu.memory_space<vmem>> -> memref<128x128xf32, #tpu.memory_space<vmem>>
        %dma_start3A_215 = tpu.memref_slice %arg5[%mul3A_208] : memref<6400xi32, #tpu.memory_space<vmem>> -> memref<128xi32, #tpu.memory_space<vmem>>
        %dma_start3A_216 = arith.constant 0 : i32
        %dma_start3A_217 = arith.constant 0 : i32
        %dma_start3A_218 = tpu.memref_slice %arg3[%dma_start3A_216, %dma_start3A_217] : memref<100000x128xf32, #tpu.memory_space<hbm>> -> memref<100000x128xf32, #tpu.memory_space<hbm>>
        %dma_start3A_219 = tpu.memref_slice %arg7[%dma_start3A_210] : memref<5x!tpu.dma_semaphore, #tpu.memory_space<semaphore_mem>> -> memref<1x!tpu.dma_semaphore, #tpu.memory_space<semaphore_mem>>
        %dma_start3A_220 = tpu.memref_squeeze %dma_start3A_219 : memref<1x!tpu.dma_semaphore, #tpu.memory_space<semaphore_mem>> -> memref<!tpu.dma_semaphore, #tpu.memory_space<semaphore_mem>>
        tpu.enqueue_indirect_dma source(%dma_start3A_218 : memref<100000x128xf32, #tpu.memory_space<hbm>>) target(%dma_start3A_214 : memref<128x128xf32, #tpu.memory_space<vmem>>) offsets(%dma_start3A_215 : memref<128xi32, #tpu.memory_space<vmem>>) semaphore(%dma_start3A_220 : memref<!tpu.dma_semaphore, #tpu.memory_space<semaphore_mem>>)
      } else {
      }
    }
    %scan3A_71 = arith.constant 10 : i32
    return
  }
}

</mosaic_0001>

<sc_bundles>
// kernel: kernel.3.cloned.1.call-start
scs
__scs_entry_jumppad:
0x0: {  	(pc) =	sbr.rel $0x88, $3  }
0x1: {  	(tag) =	ssettag $0x0;
	lr =	simm.s32 $0x1  }
0x2: {  	[smem:$0x3F9F] =	sst lr;
	_ =	strace $0xD0000000  }
0x3: {  	_ = 	snop  }
0x4: {  	_ = 	snop  }
0x5: {  	_ = 	snop  }
0x6: {  	_ = 	snop  }
0x7: {  	_ = 	snop  }
__scs_overlays_trampoline_lowered:
0x8: {  	[smem:$0x3FAE] =	sst s0  }
0x9: {  	[smem:$0x3FAF] =	sst s1  }
0xa: {  	[smem:$0x3FB0] =	sst s2  }
0xb: {  	[smem:$0x3FB1] =	sst s3  }
0xc: {  	[smem:$0x3FB2] =	sst s4  }
0xd: {  	[smem:$0x3FB3] =	sst s5  }
0xe: {  	[smem:$0x3FB4] =	sst s6  }
0xf: {  	[smem:$0x3FB5] =	sst s7  }
0x10: {  	[smem:$0x3FB6] =	sst s8  }
0x11: {  	[smem:$0x3FB7] =	sst s9;
	s0 =	simm.s32 @!p0 $0x0  }
0x12: {  	s1 =	sld [smem:$0x3F9D];
	s0 =	simm.s32 @p0 $0x1  }
0x13: {  	[smem:$0x3FB8] =	sst s0;
	s0 =	simm.s32 @!p1 $0x0  }
0x14: {  	s2 =	sld [smem:$0x3F9C];
	s0 =	simm.s32 @p1 $0x1  }
0x15: {  	[smem:$0x3FB9] =	sst s0;
	s0 =	simm.s32 @!p2 $0x0  }
0x16: {  	s3 =	sld [smem:$0x3FDB];
	s0 =	simm.s32 @p2 $0x1  }
0x17: {  	s4 =	simm.s32 $0x1BF5;
	[smem:$0x3FBB] =	sst s0  }
0x18: {  	s0 =	sld [smem:$0x3F9E];
	_ =	swait.ge [sflag:s4], $0x0  }
0x19: {  	s7 =	sld [smem:$0x3F9F]  }
0x1a: {  	s8 =	sadd.s32 $0xFFFFE003, lr  }
0x1b: {  	s9 =	sadd.s32 $0xFFFFFEF7, lr;
	s5 =	simm.s32 $0xFFFFFFFF;
	p2 =	slt.u32 s8, $0xFFFFF086  }
0x1c: {  	p1 =	slt.u32 s9, $0xF7A;
	s5 =	simm.s32 @!p2 $0x0  }
0x1d: {  	s5 =	simm.s32 @p1 $0x1;
	p0 =	seq.s32 s7, s2  }
0x1e: {  	s7 =	smul.u32 @!p0 $0xF7A, s2;
	p2 =	seq.s32 @!p0 s5, $0x0  }
0x1f: {  	s9 =	smul.u32 $0xF7A, s1;
	s8 =	simm.s32 @!p0 $0x1BF5;
	p2 =	por !p2, p0  }
0x20: {  	[sflag:s8] =	ssyncset.s32 @!p0 $0xFFFFF086;
	s6 =	sadd.s32 @!p0 s3, s7;
	s7 =	simm.s32 @!p0 $0x108  }
0x21: {  	s3 =	sadd.s32 s3, s9;
	s6 =	sadd.s32 @!p0 $0x88, s6;
	s7 =	simm.s32 @p2 $0x1082  }
0x22: {  	[simem:s7], [sflag:s8] =	dma.local @!p0 [hbm:s6], $0xF7A  }
0x23: {  	s9 =	sor.u32 $0xD0000000, s2;
	s6 =	simm.s32 $0x108;
	_ =	swait.ge @!p0 [sflag:s8], $0x0  }
0x24: {  	s3 =	sadd.s32 $0x88, s3;
	s6 =	simm.s32 @!p1 $0x1082;
	[sflag:s4] =	ssyncset.s32 $0xFFFFF086  }
0x25: {  	[simem:s6], [sflag:s4] =	dma.local [hbm:s3], $0xF7A  }
0x26: {  	[smem:$0x3F9F] =	sst s1;
	(tag) =	ssettag s2;
	_ =	strace s9  }
0x27: {  	s1 =	sld [smem:$0x3FAF]  }
0x28: {  	s2 =	sld [smem:$0x3FB0]  }
0x29: {  	s4 =	sld [smem:$0x3FB2]  }
0x2a: {  	p0 =	seq.s32 s5, $0x0;
	s5 =	sld [smem:$0x3FB3]  }
0x2b: {  	s6 =	sld [smem:$0x3FB4]  }
0x2c: {  	s7 =	sld [smem:$0x3FB5]  }
0x2d: {  	s3 =	simm.s32 $0x108;
	s8 =	sld [smem:$0x3FB6]  }
0x2e: {  	s3 =	simm.s32 @!p0 $0x1082;
	s9 =	sld [smem:$0x3FB7]  }
0x2f: {  	lr =	sadd.s32 s0, s3;
	s0 =	sld [smem:$0x3FAE]  }
0x30: {  	s3 =	sld [smem:$0x3FB1]  }
0x31: {  	[smem:$0x3FBA] =	sst s10  }
0x32: {  	s10 =	sld [smem:$0x3FB8];
	_ =	sdelay $0x3  }
0x33: {  	p0 =	seq.s32 s10, $0x1;
	s10 =	sld [smem:$0x3FBA];
	_ =	sdelay $0x3  }
0x34: {  	[smem:$0x3FBA] =	sst s10  }
0x35: {  	s10 =	sld [smem:$0x3FB9];
	_ =	sdelay $0x3  }
0x36: {  	p1 =	seq.s32 s10, $0x1;
	s10 =	sld [smem:$0x3FBA];
	_ =	sdelay $0x3  }
0x37: {  	[smem:$0x3FBA] =	sst s10  }
0x38: {  	s10 =	sld [smem:$0x3FBB]  }
0x39: {  	_ = 	snop;
	(pc) =	sbr.ind lr, $3  }
0x3a: {  	_ = 	snop  }
0x3b: {  	_ = 	snop  }
0x3c: {  	p2 =	seq.s32 s10, $0x1;
	s10 =	sld [smem:$0x3FBA]  }
0x3d: {  	_ =	shalt  }
0x3e: {  	_ =	shalt  }
0x3f: {  	_ =	shalt  }
0x40: {  	_ =	shalt  }
0x41: {  	_ =	shalt  }
0x42: {  	_ =	shalt  }
0x43: {  	_ =	shalt  }
0x44: {  	_ =	shalt  }
0x45: {  	_ =	shalt  }
0x46: {  	_ =	shalt  }
0x47: {  	_ =	shalt  }
0x48: {  	_ =	shalt  }
0x49: {  	_ =	shalt  }
0x4a: {  	_ =	shalt  }
0x4b: {  	_ =	shalt  }
0x4c: {  	_ =	shalt  }
0x4d: {  	_ =	shalt  }
0x4e: {  	_ =	shalt  }
0x4f: {  	_ =	shalt  }
0x50: {  	_ =	shalt  }
0x51: {  	_ =	shalt  }
0x52: {  	_ =	shalt  }
0x53: {  	_ =	shalt  }
0x54: {  	_ =	shalt  }
0x55: {  	_ =	shalt  }
0x56: {  	_ =	shalt  }
0x57: {  	_ =	shalt  }
0x58: {  	_ =	shalt  }
0x59: {  	_ =	shalt  }
0x5a: {  	_ =	shalt  }
0x5b: {  	_ =	shalt  }
0x5c: {  	_ =	shalt  }
0x5d: {  	_ =	shalt  }
0x5e: {  	_ =	shalt  }
0x5f: {  	_ =	shalt  }
0x60: {  	_ =	shalt  }
0x61: {  	_ =	shalt  }
0x62: {  	_ =	shalt  }
0x63: {  	_ =	shalt  }
0x64: {  	_ =	shalt  }
0x65: {  	_ =	shalt  }
0x66: {  	_ =	shalt  }
0x67: {  	_ =	shalt  }
0x68: {  	_ =	shalt  }
0x69: {  	_ =	shalt  }
0x6a: {  	_ =	shalt  }
0x6b: {  	_ =	shalt  }
0x6c: {  	_ =	shalt  }
0x6d: {  	_ =	shalt  }
0x6e: {  	_ =	shalt  }
0x6f: {  	_ =	shalt  }
0x70: {  	_ =	shalt  }
0x71: {  	_ =	shalt  }
0x72: {  	_ =	shalt  }
0x73: {  	_ =	shalt  }
0x74: {  	_ =	shalt  }
0x75: {  	_ =	shalt  }
0x76: {  	_ =	shalt  }
0x77: {  	_ =	shalt  }
0x78: {  	_ =	shalt  }
0x79: {  	_ =	shalt  }
0x7a: {  	_ =	shalt  }
0x7b: {  	_ =	shalt  }
0x7c: {  	_ =	shalt  }
0x7d: {  	_ =	shalt  }
0x7e: {  	_ =	shalt  }
0x7f: {  	_ =	shalt  }
0x80: {  	_ =	shalt  }
0x81: {  	_ =	shalt  }
0x82: {  	_ =	shalt  }
0x83: {  	_ =	shalt  }
0x84: {  	_ =	shalt  }
0x85: {  	_ =	shalt  }
0x86: {  	_ =	shalt  }
0x87: {  	_ =	shalt  }
.Lfunc_end0:
.L_simem_size_0:
called_computation_lowered:
.L_overlay_start_0:
0x88: {  	s2 =	sld [smem:$0x3FD9]  }
0x89: {  	s3 =	sld [smem:$0x3FFE];
	_ =	sdelay $0x1  }
0x8a: {  	s1 =	srdreg.scid  }
0x8b: {  	s0 =	sand.u32 $0x1, s1  }
0x8c: {  	s17 =	sshll.u32 s0, $0xA;
	s2 =	sadd.s32 s3, s2  }
0x8d: {  	s2 =	sadd.s32 s2, s17  }
0x8e: {  	[smem:$0x3FC6] =	sst s2  }
0x8f: {  	_ = 	snop  }
0x90: {  	s2 =	sld [smem:$0x3FC8]  }
0x91: {  	s18 =	sld [smem:$0x3FD0];
	(tm) =	ssettm $0x1  }
0x92: {  	s4 =	sld [smem:$0x3FFB];
	_ =	sdelay $0x3  }
0x93: {  	_ =	strace s4  }
0x94: {  	s4 =	sld [smem:$0x3FFC];
	_ =	sdelay $0x3  }
0x95: {  	_ =	strace s4  }
0x96: {  	s4 =	sld [smem:$0x3FFD];
	_ =	sdelay $0x3  }
0x97: {  	_ =	strace s4  }
0x98: {  	_ =	strace $0x8FFFFFFF  }
0x99: {  	s19 =	sld [smem:$0x3FDB];
	_ =	sdelay $0x1  }
0x9a: {  	s5 =	simm.s32 $_scs_section_size  }
0x9b: {  	s6 =	simm.s32 $_size__tile_overlayer_lowered;
	s7 =	simm.s32 $_tile_overlayer_lowered  }
0x9c: {  	s22 =	simm.s32 $0x1BFF;
	s21 =	sshll.u32 s7, $0x1;
	s4 =	sadd.s32 s5, s19  }
0x9d: {  	s8 =	simm.s32 $0x0;
	s20 =	sshll.u32 s6, $0x1;
	s6 =	sadd.s32 s21, s4  }
0x9e: {  	[timem:s8], [sflag:s22] =	dma.local [hbm:s6], s20  }
0x9f: {  	_ =	swait.ge [sflag:s22], s20  }
0xa0: {  	s5 =	ssub.s32 $0x0, s20;
	[sflag:s22] =	ssyncset.done $0x0  }
0xa1: {  	[sflag:s22] =	ssyncadd.s32 s5;
	_ =	sdelay $0x1  }
0xa2: {  	s23 =	simm.s32 $0x1B8B  }
0xa3: {  	_ =	swait.ge [sflag:s23], $0x1  }
0xa4: {  	[sflag:s23] =	ssyncset.done $0x0  }
0xa5: {  	s25 =	simm.s32 $0x1B8E;
	s24 =	sld [smem:$0x3FFE];
	[sflag:s23] =	ssyncadd.s32 $0xFFFFFFFF  }
0xa6: {  	s26 =	simm.s32 $execute0_lowered;
	[smem:$0x3FD2] =	sst s25  }
0xa7: {  	s6 =	sshll.u32 s26, $0x1;
	_ =	strace $0x80000046;
	[dreg:$0x1] =	wrdreg $0xFFFFFFFF  }
0xa8: {  	s28 =	simm.s32 $_size_execute0_lowered;
	s4 =	sadd.s32 s4, s6;
	[dreg:$0x0] =	wrdreg $0x0  }
0xa9: {  	s6 =	sshll.u32 s28, $0x1;
	[dreg:$0x2] =	wrdreg s4  }
0xaa: {  	[dreg:$0x3] =	wrdreg s6  }
0xab: {  	[dreg:$0x4] =	wrdreg $0xC0  }
0xac: {  	_ =	task [dreg:s8], $0x5FFFF  }
0xad: {  	[dreg:$0x1] =	wrdreg $0xFFFFFFFF  }
0xae: {  	[dreg:$0x0] =	wrdreg $0x60  }
0xaf: {  	[dreg:$0x2] =	wrdreg s24  }
0xb0: {  	[dreg:$0x3] =	wrdreg s2  }
0xb1: {  	[dreg:$0x4] =	wrdreg s18  }
0xb2: {  	[dreg:$0x5] =	wrdreg $0x9  }
0xb3: {  	_ =	task.clear_ibuf [dreg:s8], $0x6FFFF;
	_ =	strace $0x90000046  }
0xb4: {  	s29 =	simm.s32 $0x9;
	_ =	strace $0x80000048  }
0xb5: {  	_ =	swait.ge [sflag:s29], $0x1  }
0xb6: {  	[sflag:s29] =	ssyncadd.s32 $0xFFFFFFFF  }
0xb7: {  	_ =	strace $0x90000048  }
0xb8: {  	_ =	sfence  }
0xb9: {  	s30 =	sld [smem:$0x0];
	_ =	sdelay $0x2  }
0xba: {  	s31 =	sshll.u32 s1, $0xD;
	s1 =	sshrl.u32 s1, $0x2  }
0xbb: {  	s3 =	sand.u32 $0x4000, s31;
	s1 =	sadd.s32 s1, s30  }
0xbc: {  	s0 =	sor.u32 s3, s0;
	s1 =	sshll.u32 s1, $0x11  }
0xbd: {  	s0 =	sor.u32 s1, s0  }
0xbe: {  	s0 =	sadd.s32 $0x8F2B, s0  }
0xbf: {  	[sflag:s0] =	ssyncadd.remote.s32 $0x1  }
0xc0: {  	_ =	sfence.sel $0xFFFF  }
0xc1: {  	[dreg:$0x0] =	wrdreg $0xFFFFFFFF;
	(pc) =	sbr.abs _section_cstart, $3  }
0xc2: {  	[dreg:$0x1] =	wrdreg $0xFFFFFFFF  }
0xc3: {  	_ =	task.clear_ibuf [dreg:s8], $0x2FFFF;
	_ =	strace $0x9FFFFFFF  }
0xc4: {  	(tm) =	ssettm $0x7FFFFFFF  }
0xc5: {  	_ =	shalt  }
tec
execute0_lowered:
.L_overlay_start_1:
0x0: {  	(tag) =	ssettag $0x1  }
0x1: {  	s4 =	rddreg [dreg:$0x0]  }
0x2: {  	s2 =	rddreg [dreg:$0x1];
	s1 =	srdreg.scid  }
0x3: {  	s0 =	stileid.u32;
	s5 =	rddreg [dreg:$0x2];
	s3 =	simm.s32 $0x0  }
0x4: {  	s10 =	simm.s32 $0x5900;
	s11 =	simm.s32 $0x100;
	s12 =	simm.s32 $0x9900  }
0x5: {  	s13 =	simm.s32 $0x180;
	s14 =	simm.s32 $0xD900;
	s15 =	simm.s32 $0x200  }
0x6: {  	s16 =	simm.s32 $0x11900;
	s17 =	simm.s32 $0x1;
	s18 =	simm.s32 $0x2  }
0x7: {  	s19 =	simm.s32 $0x3;
	s20 =	simm.s32 $0x4;
	s21 =	simm.s32 $0x5  }
0x8: {  	s6 =	sand.u32 $0x1, s1;
	s7 =	sshll.u32 s0, $0x1;
	s8 =	smul.u32 $0x32000, s0  }
0x9: {  	s7 =	sor.u32 s6, s7;
	s9 =	ssub.s32 $0x2, s6;
	s6 =	smul.u32 $0x19000, s6  }
0xa: {  	s22 =	simm.s32 $0x0;
	s1 =	rddreg [dreg:$0x3];
	s7 =	smul.u32 $0x1900, s7  }
.Ltmp0:
0xb: {  	[smem:$0x7FF] =	sst s3;
	s5 =	sadd.s32 s8, s5;
	(pc) =	sbr.rel .LBB2_1-.Ltmp0, $4  }
0xc: {  	_ =	strace $0x80000047;
	s31 =	sshrl.u32 s9, $0x1;
	s6 =	sadd.s32 s6, s5  }
0xd: {  	s8 =	simm.s32 $0x80;
	s7 =	sshrl.u32 s7, $0x3;
	s6 =	sadd.s32 $0x2000, s6  }
0xe: {  	s4 =	sadd.s32 s7, s4;
	s7 =	ssub.s32 s9, s31;
	s9 =	simm.s32 $0x1900  }
0xf: {  	s4 =	sadd.s32 $0x400, s4;
	s5 =	smax.u32 s7, $0x1;
	s7 =	simm.s32 $0x6  }
.LBB2_4:
0x10: {  	s22 =	sadd.s32 $0x1, s22  }
0x11: {  	p0 =	sne.s32 s22, s5  }
.Ltmp1:
0x12: {  	_ = 	snop;
	(pc) =	sbr.rel @!p0 .LBB2_5-.Ltmp1, $1  }
0x13: {  	_ =	sdelay $0x3  }
.LBB2_1:
0x14: {  	[tilespmem:s3], [sflag:$0x6] =	stream.linear.gather [hbm4b:s4+s3], $0x1900, $0x38;
	[tilespmem:$0x15900] =	vst v63  }
0x15: {  	_ =	swait.ge [sflag:s7], $0x1900  }
0x16: {  	[sflag:s7] =	ssyncset.done $0x0  }
0x17: {  	[sflag:s7] =	ssyncadd.s32 $0xFFFFE700  }
0x18: {  	[tilespmem:s9], [sflag:$0x1] =	stream.indirect.gather [hbm4b:s2+s8], $0x80, s3, s8, $0xb8;
	[tilespmem:$0x15900] =	vst v63  }
0x19: {  	_ = 	snop  }
0x1a: {  	[tilespmem:s10], [sflag:$0x2] =	stream.indirect.gather [hbm4b:s2+s8], $0x80, s8, s8, $0xb8;
	[tilespmem:$0x15900] =	vst v63  }
0x1b: {  	_ = 	snop  }
0x1c: {  	[tilespmem:s12], [sflag:$0x3] =	stream.indirect.gather [hbm4b:s2+s8], $0x80, s11, s8, $0xb8;
	[tilespmem:$0x15900] =	vst v63  }
0x1d: {  	_ = 	snop  }
0x1e: {  	[tilespmem:s14], [sflag:$0x4] =	stream.indirect.gather [hbm4b:s2+s8], $0x80, s13, s8, $0xb8;
	[tilespmem:$0x15900] =	vst v63  }
0x1f: {  	s23 =	smov.u32 s6;
	s24 =	simm.s32 $0x0  }
0x20: {  	[tilespmem:s16], [sflag:$0x5] =	stream.indirect.gather [hbm4b:s2+s8], $0x80, s15, s8, $0xb8;
	[tilespmem:$0x15900] =	vst v63  }
.LBB2_2:
0x21: {  	_ =	swait.ge [sflag:s17], $0x4000  }
0x22: {  	[sflag:s17] =	ssyncset.done $0x0  }
0x23: {  	s25 =	sadd.s32 $0xFFFFE000, s23;
	[sflag:s17] =	ssyncadd.s32 $0xFFFFC000  }
0x24: {  	[hbm4b:s25+s3] =	stream.linear.scatter [tilespmem:s9], [sflag:$0x6], $0x4000, $0x38;
	[tilespmem:$0x15900] =	vst v63  }
0x25: {  	p0 =	seq.s32 s24, $0x5A00;
	_ =	swait.ge [sflag:s7], $0x4000  }
0x26: {  	s28 =	simm.s32 @!p0 $0x80;
	s25 =	sshra.s32 @!p0 s24, $0x2;
	[sflag:s7] =	ssyncset.done $0x0  }
0x27: {  	s29 =	simm.s32 @!p0 $0x1900;
	s26 =	sadd.s32 @!p0 $0x280, s25;
	[sflag:s7] =	ssyncadd.s32 $0xFFFFC000  }
0x28: {  	[tilespmem:s29], [sflag:$0x1] =	stream.indirect.gather @!p0 [hbm4b:s2+s28], $0x80, s26, s28, $0xb8;
	[tilespmem:$0x15900] =	vst v63  }
0x29: {  	_ =	swait.ge [sflag:s18], $0x4000  }
0x2a: {  	[sflag:s18] =	ssyncset.done $0x0  }
0x2b: {  	s29 =	sadd.s32 $0xFFFFE800, s23;
	[sflag:s18] =	ssyncadd.s32 $0xFFFFC000  }
0x2c: {  	[hbm4b:s29+s3] =	stream.linear.scatter [tilespmem:s10], [sflag:$0x6], $0x4000, $0x38;
	[tilespmem:$0x15900] =	vst v63  }
0x2d: {  	_ =	swait.ge [sflag:s7], $0x4000  }
0x2e: {  	[sflag:s7] =	ssyncset.done $0x0  }
0x2f: {  	s26 =	sadd.s32 @!p0 $0x300, s25;
	s29 =	simm.s32 @!p0 $0x5900;
	[sflag:s7] =	ssyncadd.s32 $0xFFFFC000  }
0x30: {  	[tilespmem:s29], [sflag:$0x2] =	stream.indirect.gather @!p0 [hbm4b:s2+s28], $0x80, s26, s28, $0xb8;
	[tilespmem:$0x15900] =	vst v63  }
0x31: {  	_ =	swait.ge [sflag:s19], $0x4000  }
0x32: {  	[sflag:s19] =	ssyncset.done $0x0  }
0x33: {  	s30 =	sadd.s32 $0xFFFFF000, s23;
	[sflag:s19] =	ssyncadd.s32 $0xFFFFC000  }
0x34: {  	[hbm4b:s30+s3] =	stream.linear.scatter [tilespmem:s12], [sflag:$0x6], $0x4000, $0x38;
	[tilespmem:$0x15900] =	vst v63  }
0x35: {  	_ =	swait.ge [sflag:s7], $0x4000  }
0x36: {  	[sflag:s7] =	ssyncset.done $0x0  }
0x37: {  	s26 =	sadd.s32 @!p0 $0x380, s25;
	s29 =	simm.s32 @!p0 $0x9900;
	[sflag:s7] =	ssyncadd.s32 $0xFFFFC000  }
0x38: {  	[tilespmem:s29], [sflag:$0x3] =	stream.indirect.gather @!p0 [hbm4b:s2+s28], $0x80, s26, s28, $0xb8;
	[tilespmem:$0x15900] =	vst v63  }
0x39: {  	_ =	swait.ge [sflag:s20], $0x4000  }
0x3a: {  	[sflag:s20] =	ssyncset.done $0x0  }
0x3b: {  	s31 =	sadd.s32 $0xFFFFF800, s23;
	[sflag:s20] =	ssyncadd.s32 $0xFFFFC000  }
0x3c: {  	[hbm4b:s31+s3] =	stream.linear.scatter [tilespmem:s14], [sflag:$0x6], $0x4000, $0x38;
	[tilespmem:$0x15900] =	vst v63  }
0x3d: {  	_ =	swait.ge [sflag:s7], $0x4000  }
0x3e: {  	[sflag:s7] =	ssyncset.done $0x0  }
0x3f: {  	s25 =	sadd.s32 @!p0 $0x400, s25;
	s26 =	simm.s32 @!p0 $0xD900;
	[sflag:s7] =	ssyncadd.s32 $0xFFFFC000  }
0x40: {  	[tilespmem:s26], [sflag:$0x4] =	stream.indirect.gather @!p0 [hbm4b:s2+s28], $0x80, s25, s28, $0xb8;
	[tilespmem:$0x15900] =	vst v63  }
0x41: {  	_ =	swait.ge [sflag:s21], $0x4000  }
0x42: {  	[sflag:s21] =	ssyncset.done $0x0  }
.Ltmp2:
0x43: {  	[sflag:s21] =	ssyncadd.s32 $0xFFFFC000;
	(pc) =	sbr.rel @p0 .LBB2_4-.Ltmp2, $4  }
0x44: {  	[hbm4b:s23+s3] =	stream.linear.scatter [tilespmem:s16], [sflag:$0x6], $0x4000, $0x38;
	[tilespmem:$0x15900] =	vst v63  }
0x45: {  	_ =	swait.ge [sflag:s7], $0x4000  }
0x46: {  	[sflag:s7] =	ssyncset.done $0x0  }
0x47: {  	[sflag:s7] =	ssyncadd.s32 $0xFFFFC000  }
.Ltmp3:
0x48: {  	(pc) =	sbr.rel .LBB2_2-.Ltmp3, $4  }
0x49: {  	_ = 	snop  }
0x4a: {  	s25 =	sshra.s32 s24, $0x2  }
0x4b: {  	s24 =	sadd.s32 $0xA00, s24;
	s23 =	sadd.s32 $0x2800, s23;
	s25 =	sadd.s32 $0x480, s25  }
0x4c: {  	[tilespmem:s16], [sflag:$0x5] =	stream.indirect.gather [hbm4b:s2+s8], $0x80, s25, s8, $0xb8;
	[tilespmem:$0x15900] =	vst v63  }
.LBB2_5:
0x4d: {  	_ =	sfence.sel $0x180000  }
0x4e: {  	[bflag:$0x0] =	sbarrier.arrive $0xFFFF  }
0x4f: {  	p0 =	sne.s32 s0, $0x0;
	_ =	strace $0x90000047  }
0x50: {  	s0 =	sadd.s32 @!p0 $0x100000, s1;
	[bflag:$0x2] =	sbarrier.arrive $0xFFFF  }
0x51: {  	[sflag:s0] =	ssyncadd.tile.s32 @!p0 $0x1;
	_ =	shalt  }
.Lfunc_end2:
_tile_overlayer_lowered:
.L_overlay_start_2:
0x52: {  	(tag) =	ssettag $0x2  }
0x53: {  	s0 =	rddreg [dreg:$0x0];
	s2 =	stileid.u32  }
0x54: {  	s1 =	rddreg [dreg:$0x1];
	p0 =	sne.s32 s2, $0x0  }
0x55: {  	s3 =	rddreg [dreg:$0x2];
	[bflag:$0x3] =	sbarrier.arrive $0xFFFF;
	s2 =	simm.s32 @!p0 $0x1C06  }
0x56: {  	[timem:s3], [sflag:s2] =	dma.local @!p0 [hbm:s0], s1  }
0x57: {  	s0 =	simm.s32 @!p0 $0x6  }
0x58: {  	_ =	swait.ge @!p0 [sflag:s0], s1  }
0x59: {  	s1 =	ssub.s32 @!p0 $0x0, s1;
	[sflag:s0] =	ssyncset.done @!p0 $0x0  }
0x5a: {  	[sflag:s0] =	ssyncadd.s32 @!p0 s1  }
0x5b: {  	[bflag:$0x3] =	sbarrier.arrive $0xFFFF  }
0x5c: {  	_ =	shalt  }

</sc_bundles>
